<compile_context>
chip_gen: v7x
topology: tpu7x:2x2x1
jax: 0.10.2.dev20260603
libtpu: 0.0.44.dev20260713+nightly
codegen_flags: <defaults>
</compile_context>

<pallas_src>
import functools

import jax
import jax.numpy as jnp
from jax import lax
from jax.experimental import pallas as pl
from jax.experimental.pallas import tpu as pltpu
from jax.experimental.pallas import tpu_sc as plsc


def _encode_block(xT_ref, es_ref, cu_ref, idx_ref, loss_ref, cb_ref,
                  c2_ref, cm2_ref, ids_ref, *, K, TM, NT, inv_count):
    i = pl.program_id(0)

    @pl.when(i == 0)
    def _init():
        cb = es_ref[...] / jnp.maximum(cu_ref[...], 1e-8)
        cb_ref[...] = jnp.concatenate(
            [cb, jnp.zeros((K, 128 - cb.shape[1]), jnp.float32)], axis=1)
        cm2_ref[...] = -2.0 * cb
        c2 = jnp.sum(cb * cb, axis=1, keepdims=True)
        c2_ref[...] = jnp.broadcast_to(c2, (K, TM))
        ids_ref[...] = lax.broadcasted_iota(
            jnp.int32, (K, TM), 0).astype(jnp.float32)

    xT = xT_ref[...]
    sT = lax.dot_general(cm2_ref[...], xT, (((1,), (0,)), ((), ())),
                         preferred_element_type=jnp.float32)
    x2 = jnp.sum(xT * xT, axis=0, keepdims=True)
    d2 = x2 + sT + c2_ref[...]
    md = jnp.min(d2, axis=0, keepdims=True)
    c = jnp.maximum(md, 0.0)
    s = jnp.sqrt(c)
    base = s * s
    bi = lax.bitcast_convert_type(base, jnp.int32)
    hi = md
    for k in range(5):
        hk = lax.bitcast_convert_type(bi + k, jnp.float32)
        ok = jnp.sqrt(jnp.maximum(hk, 0.0)) == s
        hi = jnp.where(ok, jnp.maximum(hi, hk), hi)
    idxf = jnp.min(jnp.where(d2 <= hi, ids_ref[...], jnp.float32(K)),
                   axis=0, keepdims=True)
    idx_ref[...] = idxf.astype(jnp.int32)
    bs = jnp.sum(c, keepdims=True).reshape(1, 1)
    prev = jnp.where(i == 0, jnp.zeros((1, 1), jnp.float32), loss_ref[...])
    tot = prev + bs
    loss_ref[...] = jnp.where(i == NT - 1, tot * inv_count, tot)


def _encode(xT, es, cu2, N, D, K, TM):
    NT = N // TM
    body = functools.partial(_encode_block, K=K, TM=TM, NT=NT,
                             inv_count=1.0 / (N * D))
    return pl.pallas_call(
        body,
        grid=(NT,),
        in_specs=[
            pl.BlockSpec((D, TM), lambda i: (0, i)),
            pl.BlockSpec((K, D), lambda i: (0, 0)),
            pl.BlockSpec((K, 1), lambda i: (0, 0)),
        ],
        out_specs=[
            pl.BlockSpec((1, TM), lambda i: (0, i)),
            pl.BlockSpec((1, 1), lambda i: (0, 0)),
            pl.BlockSpec((K, 128), lambda i: (0, 0)),
        ],
        out_shape=[
            jax.ShapeDtypeStruct((1, N), jnp.int32),
            jax.ShapeDtypeStruct((1, 1), jnp.float32),
            jax.ShapeDtypeStruct((K, 128), jnp.float32),
        ],
        scratch_shapes=[pltpu.VMEM((K, TM), jnp.float32),
                        pltpu.VMEM((K, D), jnp.float32),
                        pltpu.VMEM((K, TM), jnp.float32)],
    )(xT, es, cu2)


def _sc_gather(cb_p, idx2d, N, D):
    Dp = cb_p.shape[1]
    rows_per_w = idx2d.shape[0] // 32
    b_per_w = rows_per_w * 128
    mesh = plsc.VectorSubcoreMesh(core_axis_name="c", subcore_axis_name="s")

    @functools.partial(
        pl.kernel, mesh=mesh,
        out_type=jax.ShapeDtypeStruct((N, Dp), jnp.float32),
        scratch_types=[
            pltpu.VMEM((rows_per_w, 128), jnp.int32),
            pltpu.VMEM((b_per_w, Dp), jnp.float32),
            pltpu.SemaphoreType.DMA,
        ],
    )
    def k(cb_hbm, idx_hbm, out_hbm, idx_v, rows_v, sem):
        wid = lax.axis_index("s") * 2 + lax.axis_index("c")
        pltpu.sync_copy(idx_hbm.at[pl.ds(wid * rows_per_w, rows_per_w)], idx_v)
        copies = []
        for j in range(rows_per_w):
            copies.append(pltpu.async_copy(
                cb_hbm.at[idx_v.at[j]],
                rows_v.at[pl.ds(j * 128, 128)], sem))
        for c in copies:
            c.wait()
        pltpu.sync_copy(rows_v, out_hbm.at[pl.ds(wid * b_per_w, b_per_w)])

    return k(cb_p, idx2d)


def kernel(x, embedding_sum, cluster_usage):
    B, T, D = x.shape
    N = B * T
    K = embedding_sum.shape[0]
    TM = 256

    flat = x.astype(jnp.float32).reshape(N, D)
    xT = flat.T
    cu2 = cluster_usage.astype(jnp.float32).reshape(K, 1)
    es = embedding_sum.astype(jnp.float32)

    idx_row, loss11, cb_p = _encode(xT, es, cu2, N, D, K, TM)
    idx_flat = idx_row.reshape(N)
    q = _sc_gather(cb_p, idx_flat.reshape(N // 128, 128), N, D)

    out = q[:, :D].reshape(x.shape)
    indices = idx_flat.reshape(B, T)
    commitment_loss = loss11[0, 0]
    return (out, indices, commitment_loss)

# --- scband reference (transcript-rebuilt; emitter-appended) ---
"""Pipeline reference for scband-semantic-vq-68418829025874 (READ-ONLY COPY).

The authoritative reference and input builder live on the scoring server;
editing this copy changes nothing except your own understanding.
"""

import jax, jax.numpy as jnp
import numpy as np


def setup_inputs(seed: int = 0) -> dict:
    key = jax.random.key(seed)
    k1, k2, k3 = jax.random.split(key, 3)
    x = jax.random.normal(k1, (4, 2048, 32), dtype=jnp.float32)
    embedding_sum = jax.random.normal(k2, (8192, 32), dtype=jnp.float32)
    cluster_usage = jax.random.uniform(k3, (8192,), dtype=jnp.float32)
    return {"x": x, "embedding_sum": embedding_sum, "cluster_usage": cluster_usage}


def reference(x, embedding_sum, cluster_usage):
    # codebook = embedding_sum / clamp(cluster_usage, 1e-8)
    dim = embedding_sum.shape[1]
    cb = embedding_sum.astype(jnp.float32) / jnp.clip(cluster_usage.astype(jnp.float32), 1e-08, None)[:, None]
    # encode: cdist(flat, cb, p=2) then argmin
    flat = x.astype(jnp.float32).reshape(-1, dim)
    x2 = jnp.sum(flat * flat, axis=1, keepdims=True)
    c2 = jnp.sum(cb * cb, axis=1)[None, :]
    d2 = x2 - 2.0 * (flat @ cb.T) + c2
    dists = jnp.sqrt(jnp.maximum(d2, 0.0))
    indices_flat = jnp.argmin(dists, axis=-1)
    # decode: gather codebook rows
    quantized = jnp.take(cb, indices_flat, axis=0).reshape(x.shape)
    indices = indices_flat.reshape(x.shape[0], x.shape[1])
    # eval mode: out = quantized
    out = quantized
    commitment_loss = jnp.mean((x - jax.lax.stop_gradient(quantized)) ** 2)
    return (out, indices, commitment_loss)

if __name__ == "__main__":
    import jax
    _d = setup_inputs()
    print(jax.jit(kernel)(*tuple(_d.values())))

</pallas_src>

<mosaic_0001>
#map = affine_map<(d0, d1) -> (0, 0)>
module attributes {stable_mosaic.version = 14 : i64} {
  func.func @k(%arg0: i32, %arg1: i32, %arg2: memref<8192x128xf32, #tpu.memory_space<hbm>>, %arg3: memref<64x128xi32, #tpu.memory_space<hbm>>, %arg4: memref<8192x128xf32, #tpu.memory_space<hbm>>, %arg5: memref<2x128xi32, #tpu.memory_space<vmem>>, %arg6: memref<256x128xf32, #tpu.memory_space<vmem>>, %arg7: memref<!tpu.dma_semaphore, #tpu.memory_space<semaphore_mem>>) attributes {dimension_semantics = [#tpu.dimension_semantics<core_parallel>, #tpu.dimension_semantics<subcore_parallel>], iteration_bounds = array<i64: 2, 16>, scalar_prefetch = 0 : i64, scratch_operands = 3 : i64, tpu.core_type = #tpu.core_type<sc_vector_subcore>, window_params = [{transform_indices = #map}, {transform_indices = #map}, {transform_indices = #map}]} {
    %mul3A = arith.constant 2 : i32
    %mul3A_0 = arith.muli %arg1, %mul3A : i32
    %add3A = arith.addi %mul3A_0, %arg0 : i32
    %mul3A_1 = arith.constant 2 : i32
    %mul3A_2 = arith.muli %add3A, %mul3A_1 : i32
    "tpu.region"() ({
      %run_scoped3A = tpu.sem_alloc : memref<!tpu.dma_semaphore, #tpu.memory_space<semaphore_mem>>
      %dma_start3A_43 = arith.constant 0 : i32
      %dma_start3A_44 = tpu.memref_slice %arg3[%mul3A_2, %dma_start3A_43] : memref<64x128xi32, #tpu.memory_space<hbm>> -> memref<2x128xi32, #tpu.memory_space<hbm>>
      %dma_start3A_45 = arith.constant 0 : i32
      %dma_start3A_46 = tpu.memref_slice %arg3[%mul3A_2, %dma_start3A_45] : memref<64x128xi32, #tpu.memory_space<hbm>> -> memref<2x128xi32, #tpu.memory_space<hbm>>
      tpu.enqueue_dma source(%dma_start3A_46 : memref<2x128xi32, #tpu.memory_space<hbm>>) target(%arg5 : memref<2x128xi32, #tpu.memory_space<vmem>>) target_semaphore(%run_scoped3A : memref<!tpu.dma_semaphore, #tpu.memory_space<semaphore_mem>>)
      %dma_wait3A_47 = arith.constant 0 : i32
      %dma_wait3A_48 = tpu.memref_slice %arg3[%mul3A_2, %dma_wait3A_47] : memref<64x128xi32, #tpu.memory_space<hbm>> -> memref<2x128xi32, #tpu.memory_space<hbm>>
      %dma_wait3A_49 = arith.constant 0 : i32
      %dma_wait3A_50 = tpu.memref_slice %arg3[%mul3A_2, %dma_wait3A_49] : memref<64x128xi32, #tpu.memory_space<hbm>> -> memref<2x128xi32, #tpu.memory_space<hbm>>
      tpu.wait_dma2 semaphore(%run_scoped3A : memref<!tpu.dma_semaphore, #tpu.memory_space<semaphore_mem>>) src(%dma_wait3A_50 : memref<2x128xi32, #tpu.memory_space<hbm>>) dst(%arg5 : memref<2x128xi32, #tpu.memory_space<vmem>>)
      tpu.yield
    }) : () -> ()
    %dma_start3A = arith.constant 0 : i32
    %dma_start3A_3 = arith.constant 0 : i32
    %dma_start3A_4 = arith.constant 0 : i32
    %dma_start3A_5 = tpu.memref_slice %arg6[%dma_start3A_3, %dma_start3A_4] : memref<256x128xf32, #tpu.memory_space<vmem>> -> memref<128x128xf32, #tpu.memory_space<vmem>>
    %dma_start3A_6 = arith.constant 0 : i32
    %dma_start3A_7 = tpu.memref_slice %arg5[%dma_start3A, %dma_start3A_6] : memref<2x128xi32, #tpu.memory_space<vmem>> -> memref<1x128xi32, #tpu.memory_space<vmem>>
    %dma_start3A_8 = tpu.memref_squeeze %dma_start3A_7 : memref<1x128xi32, #tpu.memory_space<vmem>> -> memref<128xi32, #tpu.memory_space<vmem>>
    %dma_start3A_9 = arith.constant 0 : i32
    %dma_start3A_10 = arith.constant 0 : i32
    %dma_start3A_11 = tpu.memref_slice %arg2[%dma_start3A_9, %dma_start3A_10] : memref<8192x128xf32, #tpu.memory_space<hbm>> -> memref<8192x128xf32, #tpu.memory_space<hbm>>
    tpu.enqueue_indirect_dma source(%dma_start3A_11 : memref<8192x128xf32, #tpu.memory_space<hbm>>) target(%dma_start3A_5 : memref<128x128xf32, #tpu.memory_space<vmem>>) offsets(%dma_start3A_8 : memref<128xi32, #tpu.memory_space<vmem>>) semaphore(%arg7 : memref<!tpu.dma_semaphore, #tpu.memory_space<semaphore_mem>>)
    %dma_start3A_12 = arith.constant 1 : i32
    %dma_start3A_13 = arith.constant 128 : i32
    %dma_start3A_14 = arith.constant 0 : i32
    %dma_start3A_15 = tpu.memref_slice %arg6[%dma_start3A_13, %dma_start3A_14] : memref<256x128xf32, #tpu.memory_space<vmem>> -> memref<128x128xf32, #tpu.memory_space<vmem>>
    %dma_start3A_16 = arith.constant 0 : i32
    %dma_start3A_17 = tpu.memref_slice %arg5[%dma_start3A_12, %dma_start3A_16] : memref<2x128xi32, #tpu.memory_space<vmem>> -> memref<1x128xi32, #tpu.memory_space<vmem>>
    %dma_start3A_18 = tpu.memref_squeeze %dma_start3A_17 : memref<1x128xi32, #tpu.memory_space<vmem>> -> memref<128xi32, #tpu.memory_space<vmem>>
    %dma_start3A_19 = arith.constant 0 : i32
    %dma_start3A_20 = arith.constant 0 : i32
    %dma_start3A_21 = tpu.memref_slice %arg2[%dma_start3A_19, %dma_start3A_20] : memref<8192x128xf32, #tpu.memory_space<hbm>> -> memref<8192x128xf32, #tpu.memory_space<hbm>>
    tpu.enqueue_indirect_dma source(%dma_start3A_21 : memref<8192x128xf32, #tpu.memory_space<hbm>>) target(%dma_start3A_15 : memref<128x128xf32, #tpu.memory_space<vmem>>) offsets(%dma_start3A_18 : memref<128xi32, #tpu.memory_space<vmem>>) semaphore(%arg7 : memref<!tpu.dma_semaphore, #tpu.memory_space<semaphore_mem>>)
    %dma_wait3A = arith.constant 0 : i32
    %dma_wait3A_22 = arith.constant 0 : i32
    %dma_wait3A_23 = arith.constant 0 : i32
    %dma_wait3A_24 = tpu.memref_slice %arg6[%dma_wait3A_22, %dma_wait3A_23] : memref<256x128xf32, #tpu.memory_space<vmem>> -> memref<128x128xf32, #tpu.memory_space<vmem>>
    %dma_wait3A_25 = arith.constant 0 : i32
    %dma_wait3A_26 = tpu.memref_slice %arg5[%dma_wait3A, %dma_wait3A_25] : memref<2x128xi32, #tpu.memory_space<vmem>> -> memref<1x128xi32, #tpu.memory_space<vmem>>
    %dma_wait3A_27 = tpu.memref_squeeze %dma_wait3A_26 : memref<1x128xi32, #tpu.memory_space<vmem>> -> memref<128xi32, #tpu.memory_space<vmem>>
    %dma_wait3A_28 = arith.constant 0 : i32
    %dma_wait3A_29 = arith.constant 0 : i32
    %dma_wait3A_30 = tpu.memref_slice %arg2[%dma_wait3A_28, %dma_wait3A_29] : memref<8192x128xf32, #tpu.memory_space<hbm>> -> memref<8192x128xf32, #tpu.memory_space<hbm>>
    tpu.wait_indirect_dma semaphore(%arg7 : memref<!tpu.dma_semaphore, #tpu.memory_space<semaphore_mem>>) src(%dma_wait3A_30 : memref<8192x128xf32, #tpu.memory_space<hbm>>) dst(%dma_wait3A_24 : memref<128x128xf32, #tpu.memory_space<vmem>>)
    %dma_wait3A_31 = arith.constant 1 : i32
    %dma_wait3A_32 = arith.constant 128 : i32
    %dma_wait3A_33 = arith.constant 0 : i32
    %dma_wait3A_34 = tpu.memref_slice %arg6[%dma_wait3A_32, %dma_wait3A_33] : memref<256x128xf32, #tpu.memory_space<vmem>> -> memref<128x128xf32, #tpu.memory_space<vmem>>
    %dma_wait3A_35 = arith.constant 0 : i32
    %dma_wait3A_36 = tpu.memref_slice %arg5[%dma_wait3A_31, %dma_wait3A_35] : memref<2x128xi32, #tpu.memory_space<vmem>> -> memref<1x128xi32, #tpu.memory_space<vmem>>
    %dma_wait3A_37 = tpu.memref_squeeze %dma_wait3A_36 : memref<1x128xi32, #tpu.memory_space<vmem>> -> memref<128xi32, #tpu.memory_space<vmem>>
    %dma_wait3A_38 = arith.constant 0 : i32
    %dma_wait3A_39 = arith.constant 0 : i32
    %dma_wait3A_40 = tpu.memref_slice %arg2[%dma_wait3A_38, %dma_wait3A_39] : memref<8192x128xf32, #tpu.memory_space<hbm>> -> memref<8192x128xf32, #tpu.memory_space<hbm>>
    tpu.wait_indirect_dma semaphore(%arg7 : memref<!tpu.dma_semaphore, #tpu.memory_space<semaphore_mem>>) src(%dma_wait3A_40 : memref<8192x128xf32, #tpu.memory_space<hbm>>) dst(%dma_wait3A_34 : memref<128x128xf32, #tpu.memory_space<vmem>>)
    %mul3A_41 = arith.constant 256 : i32
    %mul3A_42 = arith.muli %add3A, %mul3A_41 : i32
    "tpu.region"() ({
      %run_scoped3A = tpu.sem_alloc : memref<!tpu.dma_semaphore, #tpu.memory_space<semaphore_mem>>
      %dma_start3A_43 = arith.constant 0 : i32
      %dma_start3A_44 = tpu.memref_slice %arg4[%mul3A_42, %dma_start3A_43] : memref<8192x128xf32, #tpu.memory_space<hbm>> -> memref<256x128xf32, #tpu.memory_space<hbm>>
      %dma_start3A_45 = arith.constant 0 : i32
      %dma_start3A_46 = tpu.memref_slice %arg4[%mul3A_42, %dma_start3A_45] : memref<8192x128xf32, #tpu.memory_space<hbm>> -> memref<256x128xf32, #tpu.memory_space<hbm>>
      tpu.enqueue_dma source(%arg6 : memref<256x128xf32, #tpu.memory_space<vmem>>) target(%dma_start3A_46 : memref<256x128xf32, #tpu.memory_space<hbm>>) target_semaphore(%run_scoped3A : memref<!tpu.dma_semaphore, #tpu.memory_space<semaphore_mem>>)
      %dma_wait3A_47 = arith.constant 0 : i32
      %dma_wait3A_48 = tpu.memref_slice %arg4[%mul3A_42, %dma_wait3A_47] : memref<8192x128xf32, #tpu.memory_space<hbm>> -> memref<256x128xf32, #tpu.memory_space<hbm>>
      %dma_wait3A_49 = arith.constant 0 : i32
      %dma_wait3A_50 = tpu.memref_slice %arg4[%mul3A_42, %dma_wait3A_49] : memref<8192x128xf32, #tpu.memory_space<hbm>> -> memref<256x128xf32, #tpu.memory_space<hbm>>
      tpu.wait_dma2 semaphore(%run_scoped3A : memref<!tpu.dma_semaphore, #tpu.memory_space<semaphore_mem>>) src(%arg6 : memref<256x128xf32, #tpu.memory_space<vmem>>) dst(%dma_wait3A_50 : memref<256x128xf32, #tpu.memory_space<hbm>>)
      tpu.yield
    }) : () -> ()
    return
  }
}

module attributes {stable_mosaic.version = 14 : i64} {
  func.func @_encode_block(%arg0: i32, %arg1: memref<32x256xf32, #tpu.memory_space<vmem>>, %arg2: memref<8192x32xf32, #tpu.memory_space<vmem>>, %arg3: memref<8192x1xf32, #tpu.memory_space<vmem>>, %arg4: memref<1x256xi32, #tpu.memory_space<vmem>>, %arg5: memref<1x1xf32, #tpu.memory_space<vmem>>, %arg6: memref<8192x128xf32, #tpu.memory_space<vmem>>, %arg7: memref<8192x256xf32, #tpu.memory_space<vmem>>, %arg8: memref<8192x32xf32, #tpu.memory_space<vmem>>, %arg9: memref<8192x256xf32, #tpu.memory_space<vmem>>) attributes {dimension_semantics = [#tpu.dimension_semantics<arbitrary>], iteration_bounds = array<i64: 32>, scalar_prefetch = 0 : i64, scratch_operands = 3 : i64, tpu.core_type = #tpu.core_type<tc>, window_params = [{transform_indices = @transform_0, window_bounds = array<i64: 32, 256>}, {pipeline_mode = #tpu.pipeline_mode<synchronous>, transform_indices = @transform_1, window_bounds = array<i64: 8192, 32>}, {pipeline_mode = #tpu.pipeline_mode<synchronous>, transform_indices = @transform_2, window_bounds = array<i64: 8192, 1>}, {transform_indices = @transform_3, window_bounds = array<i64: 1, 256>}, {pipeline_mode = #tpu.pipeline_mode<synchronous>, transform_indices = @transform_4, window_bounds = array<i64: 1, 1>}, {pipeline_mode = #tpu.pipeline_mode<synchronous>, transform_indices = @transform_5, window_bounds = array<i64: 8192, 128>}]} {
    %eq3A = arith.constant 0 : i32
    %eq3A_0 = arith.cmpi eq, %arg0, %eq3A : i32
    %convert_element_type3A = arith.extui %eq3A_0 : i1 to i32
    %cond3A = arith.constant 0 : i32
    %cond3A_1 = arith.cmpi ne, %convert_element_type3A, %cond3A : i32
    scf.if %cond3A_1 {
      %get3A_109 = arith.constant 0 : index
      %get3A_110 = arith.constant 0 : index
      %get3A_111 = vector.load %arg2[%get3A_109, %get3A_110] : memref<8192x32xf32, #tpu.memory_space<vmem>>, vector<8192x32xf32>
      %get3A_112 = arith.constant 0 : index
      %get3A_113 = arith.constant 0 : index
      %get3A_114 = vector.load %arg3[%get3A_112, %get3A_113] : memref<8192x1xf32, #tpu.memory_space<vmem>>, vector<8192x1xf32>
      %max3A_115 = arith.constant 9.99999993E-9 : f32
      %max3A_116 = vector.broadcast %max3A_115 : f32 to vector<8192x1xf32>
      %max3A_117 = arith.maximumf %get3A_114, %max3A_116 : vector<8192x1xf32>
      %div3A = vector.broadcast %max3A_117 : vector<8192x1xf32> to vector<8192x32xf32>
      %div3A_118 = arith.divf %get3A_111, %div3A : vector<8192x32xf32>
      %broadcast_in_dim3A_119 = arith.constant 0.000000e+00 : f32
      %broadcast_in_dim3A_120 = vector.broadcast %broadcast_in_dim3A_119 : f32 to vector<8192x96xf32>
      %concatenate3A = tpu.concatenate %div3A_118, %broadcast_in_dim3A_120 in 1 : vector<8192x32xf32>, vector<8192x96xf32> -> vector<8192x128xf32>
      %swap3A_121 = arith.constant 0 : index
      %swap3A_122 = arith.constant 0 : index
      %swap3A_123 = vector.load %arg6[%swap3A_121, %swap3A_122] : memref<8192x128xf32, #tpu.memory_space<vmem>>, vector<8192x128xf32>
      tpu.vector_store %arg6[%swap3A_121, %swap3A_122], %concatenate3A {strides = array<i32>} : memref<8192x128xf32, #tpu.memory_space<vmem>>, vector<8192x128xf32>,
      %mul3A_124 = arith.constant -2.000000e+00 : f32
      %mul3A_125 = vector.broadcast %mul3A_124 : f32 to vector<8192x32xf32>
      %mul3A_126 = arith.mulf %mul3A_125, %div3A_118 : vector<8192x32xf32>
      %swap3A_127 = arith.constant 0 : index
      %swap3A_128 = arith.constant 0 : index
      %swap3A_129 = vector.load %arg8[%swap3A_127, %swap3A_128] : memref<8192x32xf32, #tpu.memory_space<vmem>>, vector<8192x32xf32>
      tpu.vector_store %arg8[%swap3A_127, %swap3A_128], %mul3A_126 {strides = array<i32>} : memref<8192x32xf32, #tpu.memory_space<vmem>>, vector<8192x32xf32>,
      %mul3A_130 = arith.mulf %div3A_118, %div3A_118 : vector<8192x32xf32>
      %reduce_sum3A_131 = arith.constant dense<0.000000e+00> : vector<8192xf32>
      %reduce_sum3A_132 = vector.multi_reduction <add>, %mul3A_130, %reduce_sum3A_131 [1] : vector<8192x32xf32> to vector<8192xf32>
      %broadcast_in_dim3A_133 = vector.shape_cast %reduce_sum3A_132 : vector<8192xf32> to vector<8192x1xf32>
      %broadcast_in_dim3A_134 = vector.shape_cast %broadcast_in_dim3A_133 : vector<8192x1xf32> to vector<8192x1xf32>
      %broadcast_in_dim3A_135 = vector.broadcast %broadcast_in_dim3A_134 : vector<8192x1xf32> to vector<8192x256xf32>
      %swap3A_136 = arith.constant 0 : index
      %swap3A_137 = arith.constant 0 : index
      %swap3A_138 = vector.load %arg7[%swap3A_136, %swap3A_137] : memref<8192x256xf32, #tpu.memory_space<vmem>>, vector<8192x256xf32>
      tpu.vector_store %arg7[%swap3A_136, %swap3A_137], %broadcast_in_dim3A_135 {strides = array<i32>} : memref<8192x256xf32, #tpu.memory_space<vmem>>, vector<8192x256xf32>,
      %iota3A = tpu.iota {dimensions = array<i32: 0>} : vector<8192x256xi32>
      %convert_element_type3A_139 = arith.sitofp %iota3A : vector<8192x256xi32> to vector<8192x256xf32>
      %swap3A_140 = arith.constant 0 : index
      %swap3A_141 = arith.constant 0 : index
      %swap3A_142 = vector.load %arg9[%swap3A_140, %swap3A_141] : memref<8192x256xf32, #tpu.memory_space<vmem>>, vector<8192x256xf32>
      tpu.vector_store %arg9[%swap3A_140, %swap3A_141], %convert_element_type3A_139 {strides = array<i32>} : memref<8192x256xf32, #tpu.memory_space<vmem>>, vector<8192x256xf32>,
    } else {
    }
    %get3A = arith.constant 0 : index
    %get3A_2 = arith.constant 0 : index
    %get3A_3 = vector.load %arg1[%get3A, %get3A_2] : memref<32x256xf32, #tpu.memory_space<vmem>>, vector<32x256xf32>
    %get3A_4 = arith.constant 0 : index
    %get3A_5 = arith.constant 0 : index
    %get3A_6 = vector.load %arg8[%get3A_4, %get3A_5] : memref<8192x32xf32, #tpu.memory_space<vmem>>, vector<8192x32xf32>
    %dot_general3A = arith.constant dense<0.000000e+00> : vector<8192x256xf32>
    %dot_general3A_7 = tpu.matmul %get3A_6, %get3A_3, %dot_general3A {dimension_numbers = #tpu.dot_dimension_numbers<[1], [0], [0], [1], [0, 0, 1, 1], [], []>, transpose_lhs_hint = false} : vector<8192x32xf32>, vector<32x256xf32>, vector<8192x256xf32> -> vector<8192x256xf32>
    %mul3A = arith.mulf %get3A_3, %get3A_3 : vector<32x256xf32>
    %reduce_sum3A = arith.constant dense<0.000000e+00> : vector<256xf32>
    %reduce_sum3A_8 = vector.multi_reduction <add>, %mul3A, %reduce_sum3A [0] : vector<32x256xf32> to vector<256xf32>
    %broadcast_in_dim3A = vector.shape_cast %reduce_sum3A_8 : vector<256xf32> to vector<1x256xf32>
    %add3A = vector.broadcast %broadcast_in_dim3A : vector<1x256xf32> to vector<8192x256xf32>
    %add3A_9 = arith.addf %add3A, %dot_general3A_7 : vector<8192x256xf32>
    %get3A_10 = arith.constant 0 : index
    %get3A_11 = arith.constant 0 : index
    %get3A_12 = vector.load %arg7[%get3A_10, %get3A_11] : memref<8192x256xf32, #tpu.memory_space<vmem>>, vector<8192x256xf32>
    %add3A_13 = arith.addf %add3A_9, %get3A_12 : vector<8192x256xf32>
    %reduce_min3A = arith.constant dense<0x7F800000> : vector<256xf32>
    %reduce_min3A_14 = vector.multi_reduction <minimumf>, %add3A_13, %reduce_min3A [0] : vector<8192x256xf32> to vector<256xf32>
    %broadcast_in_dim3A_15 = vector.shape_cast %reduce_min3A_14 : vector<256xf32> to vector<1x256xf32>
    %max3A = arith.constant 0.000000e+00 : f32
    %max3A_16 = vector.broadcast %max3A : f32 to vector<1x256xf32>
    %max3A_17 = arith.maximumf %broadcast_in_dim3A_15, %max3A_16 : vector<1x256xf32>
    %sqrt3A = math.sqrt %max3A_17 : vector<1x256xf32>
    %mul3A_18 = arith.mulf %sqrt3A, %sqrt3A : vector<1x256xf32>
    %bitcast_convert_type3A = tpu.bitcast %mul3A_18 : vector<1x256xf32> -> vector<1x256xi32>
    %add3A_19 = arith.constant 0 : i32
    %add3A_20 = vector.broadcast %add3A_19 : i32 to vector<1x256xi32>
    %add3A_21 = arith.addi %bitcast_convert_type3A, %add3A_20 : vector<1x256xi32>
    %bitcast_convert_type3A_22 = tpu.bitcast %add3A_21 : vector<1x256xi32> -> vector<1x256xf32>
    %max3A_23 = arith.constant 0.000000e+00 : f32
    %max3A_24 = vector.broadcast %max3A_23 : f32 to vector<1x256xf32>
    %max3A_25 = arith.maximumf %bitcast_convert_type3A_22, %max3A_24 : vector<1x256xf32>
    %sqrt3A_26 = math.sqrt %max3A_25 : vector<1x256xf32>
    %eq3A_27 = arith.cmpf oeq, %sqrt3A_26, %sqrt3A : vector<1x256xf32>
    %max3A_28 = arith.maximumf %broadcast_in_dim3A_15, %bitcast_convert_type3A_22 : vector<1x256xf32>
    %select_n3A = arith.select %eq3A_27, %max3A_28, %broadcast_in_dim3A_15 : vector<1x256xi1>, vector<1x256xf32>
    %add3A_29 = arith.constant 1 : i32
    %add3A_30 = vector.broadcast %add3A_29 : i32 to vector<1x256xi32>
    %add3A_31 = arith.addi %bitcast_convert_type3A, %add3A_30 : vector<1x256xi32>
    %bitcast_convert_type3A_32 = tpu.bitcast %add3A_31 : vector<1x256xi32> -> vector<1x256xf32>
    %max3A_33 = arith.constant 0.000000e+00 : f32
    %max3A_34 = vector.broadcast %max3A_33 : f32 to vector<1x256xf32>
    %max3A_35 = arith.maximumf %bitcast_convert_type3A_32, %max3A_34 : vector<1x256xf32>
    %sqrt3A_36 = math.sqrt %max3A_35 : vector<1x256xf32>
    %eq3A_37 = arith.cmpf oeq, %sqrt3A_36, %sqrt3A : vector<1x256xf32>
    %max3A_38 = arith.maximumf %select_n3A, %bitcast_convert_type3A_32 : vector<1x256xf32>
    %select_n3A_39 = arith.select %eq3A_37, %max3A_38, %select_n3A : vector<1x256xi1>, vector<1x256xf32>
    %add3A_40 = arith.constant 2 : i32
    %add3A_41 = vector.broadcast %add3A_40 : i32 to vector<1x256xi32>
    %add3A_42 = arith.addi %bitcast_convert_type3A, %add3A_41 : vector<1x256xi32>
    %bitcast_convert_type3A_43 = tpu.bitcast %add3A_42 : vector<1x256xi32> -> vector<1x256xf32>
    %max3A_44 = arith.constant 0.000000e+00 : f32
    %max3A_45 = vector.broadcast %max3A_44 : f32 to vector<1x256xf32>
    %max3A_46 = arith.maximumf %bitcast_convert_type3A_43, %max3A_45 : vector<1x256xf32>
    %sqrt3A_47 = math.sqrt %max3A_46 : vector<1x256xf32>
    %eq3A_48 = arith.cmpf oeq, %sqrt3A_47, %sqrt3A : vector<1x256xf32>
    %max3A_49 = arith.maximumf %select_n3A_39, %bitcast_convert_type3A_43 : vector<1x256xf32>
    %select_n3A_50 = arith.select %eq3A_48, %max3A_49, %select_n3A_39 : vector<1x256xi1>, vector<1x256xf32>
    %add3A_51 = arith.constant 3 : i32
    %add3A_52 = vector.broadcast %add3A_51 : i32 to vector<1x256xi32>
    %add3A_53 = arith.addi %bitcast_convert_type3A, %add3A_52 : vector<1x256xi32>
    %bitcast_convert_type3A_54 = tpu.bitcast %add3A_53 : vector<1x256xi32> -> vector<1x256xf32>
    %max3A_55 = arith.constant 0.000000e+00 : f32
    %max3A_56 = vector.broadcast %max3A_55 : f32 to vector<1x256xf32>
    %max3A_57 = arith.maximumf %bitcast_convert_type3A_54, %max3A_56 : vector<1x256xf32>
    %sqrt3A_58 = math.sqrt %max3A_57 : vector<1x256xf32>
    %eq3A_59 = arith.cmpf oeq, %sqrt3A_58, %sqrt3A : vector<1x256xf32>
    %max3A_60 = arith.maximumf %select_n3A_50, %bitcast_convert_type3A_54 : vector<1x256xf32>
    %select_n3A_61 = arith.select %eq3A_59, %max3A_60, %select_n3A_50 : vector<1x256xi1>, vector<1x256xf32>
    %add3A_62 = arith.constant 4 : i32
    %add3A_63 = vector.broadcast %add3A_62 : i32 to vector<1x256xi32>
    %add3A_64 = arith.addi %bitcast_convert_type3A, %add3A_63 : vector<1x256xi32>
    %bitcast_convert_type3A_65 = tpu.bitcast %add3A_64 : vector<1x256xi32> -> vector<1x256xf32>
    %max3A_66 = arith.constant 0.000000e+00 : f32
    %max3A_67 = vector.broadcast %max3A_66 : f32 to vector<1x256xf32>
    %max3A_68 = arith.maximumf %bitcast_convert_type3A_65, %max3A_67 : vector<1x256xf32>
    %sqrt3A_69 = math.sqrt %max3A_68 : vector<1x256xf32>
    %eq3A_70 = arith.cmpf oeq, %sqrt3A_69, %sqrt3A : vector<1x256xf32>
    %max3A_71 = arith.maximumf %select_n3A_61, %bitcast_convert_type3A_65 : vector<1x256xf32>
    %select_n3A_72 = arith.select %eq3A_70, %max3A_71, %select_n3A_61 : vector<1x256xi1>, vector<1x256xf32>
    %le3A = vector.broadcast %select_n3A_72 : vector<1x256xf32> to vector<8192x256xf32>
    %le3A_73 = arith.cmpf ole, %add3A_13, %le3A : vector<8192x256xf32>
    %get3A_74 = arith.constant 0 : index
    %get3A_75 = arith.constant 0 : index
    %get3A_76 = vector.load %arg9[%get3A_74, %get3A_75] : memref<8192x256xf32, #tpu.memory_space<vmem>>, vector<8192x256xf32>
    %jit3A = arith.constant 8.192000e+03 : f32
    %broadcast_in_dim3A_77 = vector.broadcast %jit3A : f32 to vector<8192x256xf32>
    %select_n3A_78 = arith.select %le3A_73, %get3A_76, %broadcast_in_dim3A_77 : vector<8192x256xi1>, vector<8192x256xf32>
    %reduce_min3A_79 = arith.constant dense<0x7F800000> : vector<256xf32>
    %reduce_min3A_80 = vector.multi_reduction <minimumf>, %select_n3A_78, %reduce_min3A_79 [0] : vector<8192x256xf32> to vector<256xf32>
    %broadcast_in_dim3A_81 = vector.shape_cast %reduce_min3A_80 : vector<256xf32> to vector<1x256xf32>
    %convert_element_type3A_82 = arith.fptosi %broadcast_in_dim3A_81 : vector<1x256xf32> to vector<1x256xi32>
    %swap3A = arith.constant 0 : index
    %swap3A_83 = arith.constant 0 : index
    %swap3A_84 = vector.load %arg4[%swap3A, %swap3A_83] : memref<1x256xi32, #tpu.memory_space<vmem>>, vector<1x256xi32>
    tpu.vector_store %arg4[%swap3A, %swap3A_83], %convert_element_type3A_82 {strides = array<i32>} : memref<1x256xi32, #tpu.memory_space<vmem>>, vector<1x256xi32>,
    %reduce_sum3A_85 = vector.shape_cast %max3A_17 : vector<1x256xf32> to vector<1x1x256xf32>
    %reduce_sum3A_86 = arith.constant dense<0.000000e+00> : vector<1xf32>
    %reduce_sum3A_87 = vector.multi_reduction <add>, %reduce_sum3A_85, %reduce_sum3A_86 [1, 2] : vector<1x1x256xf32> to vector<1xf32>
    %reduce_sum3A_88 = vector.shape_cast %reduce_sum3A_87 : vector<1xf32> to vector<1x1x1xf32>
    %reduce_sum3A_89 = vector.extract %reduce_sum3A_88[0, 0, 0] : f32 from vector<1x1x1xf32>
    %broadcast_in_dim3A_90 = vector.broadcast %reduce_sum3A_89 : f32 to vector<1x1xf32>
    %eq3A_91 = arith.constant 0 : i32
    %eq3A_92 = arith.cmpi eq, %arg0, %eq3A_91 : i32
    %broadcast_in_dim3A_93 = arith.constant 0.000000e+00 : f32
    %broadcast_in_dim3A_94 = vector.broadcast %broadcast_in_dim3A_93 : f32 to vector<1x1xf32>
    %get3A_95 = arith.constant 0 : index
    %get3A_96 = arith.constant 0 : index
    %get3A_97 = vector.load %arg5[%get3A_95, %get3A_96] : memref<1x1xf32, #tpu.memory_space<vmem>>, vector<1x1xf32>
    %select_n3A_98 = arith.select %eq3A_92, %broadcast_in_dim3A_94, %get3A_97 : vector<1x1xf32>
    %add3A_99 = arith.addf %select_n3A_98, %broadcast_in_dim3A_90 : vector<1x1xf32>
    %eq3A_100 = arith.constant 31 : i32
    %eq3A_101 = arith.cmpi eq, %arg0, %eq3A_100 : i32
    %mul3A_102 = arith.constant 3.81469727E-6 : f32
    %mul3A_103 = vector.broadcast %mul3A_102 : f32 to vector<1x1xf32>
    %mul3A_104 = arith.mulf %add3A_99, %mul3A_103 : vector<1x1xf32>
    %select_n3A_105 = arith.select %eq3A_101, %mul3A_104, %add3A_99 : vector<1x1xf32>
    %swap3A_106 = arith.constant 0 : index
    %swap3A_107 = arith.constant 0 : index
    %swap3A_108 = vector.load %arg5[%swap3A_106, %swap3A_107] : memref<1x1xf32, #tpu.memory_space<vmem>>, vector<1x1xf32>
    tpu.vector_store %arg5[%swap3A_106, %swap3A_107], %select_n3A_105 {strides = array<i32>} : memref<1x1xf32, #tpu.memory_space<vmem>>, vector<1x1xf32>,
    return
  }
  func.func @transform_0(%arg0: i32) -> (i32, i32) {
    %c0_i32 = arith.constant 0 : i32
    %c0_i32_0 = arith.constant 0 : i32
    return %c0_i32, %arg0 : i32, i32
  }
  func.func @transform_1(%arg0: i32) -> (i32, i32) {
    %c0_i32 = arith.constant 0 : i32
    %c0_i32_0 = arith.constant 0 : i32
    %c0_i32_1 = arith.constant 0 : i32
    return %c0_i32, %c0_i32_0 : i32, i32
  }
  func.func @transform_2(%arg0: i32) -> (i32, i32) {
    %c0_i32 = arith.constant 0 : i32
    %c0_i32_0 = arith.constant 0 : i32
    %c0_i32_1 = arith.constant 0 : i32
    return %c0_i32, %c0_i32_0 : i32, i32
  }
  func.func @transform_3(%arg0: i32) -> (i32, i32) {
    %c0_i32 = arith.constant 0 : i32
    %c0_i32_0 = arith.constant 0 : i32
    return %c0_i32, %arg0 : i32, i32
  }
  func.func @transform_4(%arg0: i32) -> (i32, i32) {
    %c0_i32 = arith.constant 0 : i32
    %c0_i32_0 = arith.constant 0 : i32
    %c0_i32_1 = arith.constant 0 : i32
    return %c0_i32, %c0_i32_0 : i32, i32
  }
  func.func @transform_5(%arg0: i32) -> (i32, i32) {
    %c0_i32 = arith.constant 0 : i32
    %c0_i32_0 = arith.constant 0 : i32
    %c0_i32_1 = arith.constant 0 : i32
    return %c0_i32, %c0_i32_0 : i32, i32
  }
}

</mosaic_0001>

<sc_bundles>
// kernel: kernel.4.cloned.1.call-start
scs
__scs_entry_jumppad:
0x0: {  	(pc) =	sbr.rel $0x88, $3  }
0x1: {  	(tag) =	ssettag $0x0;
	lr =	simm.s32 $0x1  }
0x2: {  	[smem:$0x3F9E] =	sst lr;
	_ =	strace $0xD0000000  }
0x3: {  	_ = 	snop  }
0x4: {  	_ = 	snop  }
0x5: {  	_ = 	snop  }
0x6: {  	_ = 	snop  }
0x7: {  	_ = 	snop  }
__scs_overlays_trampoline_lowered:
0x8: {  	[smem:$0x3FAD] =	sst s0  }
0x9: {  	[smem:$0x3FAE] =	sst s1  }
0xa: {  	[smem:$0x3FAF] =	sst s2  }
0xb: {  	[smem:$0x3FB0] =	sst s3  }
0xc: {  	[smem:$0x3FB1] =	sst s4  }
0xd: {  	[smem:$0x3FB2] =	sst s5  }
0xe: {  	[smem:$0x3FB3] =	sst s6  }
0xf: {  	[smem:$0x3FB4] =	sst s7  }
0x10: {  	[smem:$0x3FB5] =	sst s8  }
0x11: {  	[smem:$0x3FB6] =	sst s9;
	s0 =	simm.s32 @!p0 $0x0  }
0x12: {  	s1 =	sld [smem:$0x3F9C];
	s0 =	simm.s32 @p0 $0x1  }
0x13: {  	[smem:$0x3FB7] =	sst s0;
	s0 =	simm.s32 @!p1 $0x0  }
0x14: {  	s2 =	sld [smem:$0x3F9B];
	s0 =	simm.s32 @p1 $0x1  }
0x15: {  	[smem:$0x3FB8] =	sst s0;
	s0 =	simm.s32 @!p2 $0x0  }
0x16: {  	s3 =	sld [smem:$0x3FDB];
	s0 =	simm.s32 @p2 $0x1  }
0x17: {  	s4 =	simm.s32 $0x1BF5;
	[smem:$0x3FBA] =	sst s0  }
0x18: {  	s0 =	sld [smem:$0x3F9D];
	_ =	swait.ge [sflag:s4], $0x0  }
0x19: {  	s7 =	sld [smem:$0x3F9E]  }
0x1a: {  	s8 =	sadd.s32 $0xFFFFE003, lr  }
0x1b: {  	s9 =	sadd.s32 $0xFFFFFEF7, lr;
	s5 =	simm.s32 $0xFFFFFFFF;
	p2 =	slt.u32 s8, $0xFFFFF086  }
0x1c: {  	p1 =	slt.u32 s9, $0xF7A;
	s5 =	simm.s32 @!p2 $0x0  }
0x1d: {  	s5 =	simm.s32 @p1 $0x1;
	p0 =	seq.s32 s7, s2  }
0x1e: {  	s7 =	smul.u32 @!p0 $0xF7A, s2;
	p2 =	seq.s32 @!p0 s5, $0x0  }
0x1f: {  	s9 =	smul.u32 $0xF7A, s1;
	s8 =	simm.s32 @!p0 $0x1BF5;
	p2 =	por !p2, p0  }
0x20: {  	[sflag:s8] =	ssyncset.s32 @!p0 $0xFFFFF086;
	s6 =	sadd.s32 @!p0 s3, s7;
	s7 =	simm.s32 @!p0 $0x108  }
0x21: {  	s3 =	sadd.s32 s3, s9;
	s6 =	sadd.s32 @!p0 $0x88, s6;
	s7 =	simm.s32 @p2 $0x1082  }
0x22: {  	[simem:s7], [sflag:s8] =	dma.local @!p0 [hbm:s6], $0xF7A  }
0x23: {  	s9 =	sor.u32 $0xD0000000, s2;
	s6 =	simm.s32 $0x108;
	_ =	swait.ge @!p0 [sflag:s8], $0x0  }
0x24: {  	s3 =	sadd.s32 $0x88, s3;
	s6 =	simm.s32 @!p1 $0x1082;
	[sflag:s4] =	ssyncset.s32 $0xFFFFF086  }
0x25: {  	[simem:s6], [sflag:s4] =	dma.local [hbm:s3], $0xF7A  }
0x26: {  	[smem:$0x3F9E] =	sst s1;
	(tag) =	ssettag s2;
	_ =	strace s9  }
0x27: {  	s1 =	sld [smem:$0x3FAE]  }
0x28: {  	s2 =	sld [smem:$0x3FAF]  }
0x29: {  	s4 =	sld [smem:$0x3FB1]  }
0x2a: {  	p0 =	seq.s32 s5, $0x0;
	s5 =	sld [smem:$0x3FB2]  }
0x2b: {  	s6 =	sld [smem:$0x3FB3]  }
0x2c: {  	s7 =	sld [smem:$0x3FB4]  }
0x2d: {  	s3 =	simm.s32 $0x108;
	s8 =	sld [smem:$0x3FB5]  }
0x2e: {  	s3 =	simm.s32 @!p0 $0x1082;
	s9 =	sld [smem:$0x3FB6]  }
0x2f: {  	lr =	sadd.s32 s0, s3;
	s0 =	sld [smem:$0x3FAD]  }
0x30: {  	s3 =	sld [smem:$0x3FB0]  }
0x31: {  	[smem:$0x3FB9] =	sst s10  }
0x32: {  	s10 =	sld [smem:$0x3FB7];
	_ =	sdelay $0x3  }
0x33: {  	p0 =	seq.s32 s10, $0x1;
	s10 =	sld [smem:$0x3FB9];
	_ =	sdelay $0x3  }
0x34: {  	[smem:$0x3FB9] =	sst s10  }
0x35: {  	s10 =	sld [smem:$0x3FB8];
	_ =	sdelay $0x3  }
0x36: {  	p1 =	seq.s32 s10, $0x1;
	s10 =	sld [smem:$0x3FB9];
	_ =	sdelay $0x3  }
0x37: {  	[smem:$0x3FB9] =	sst s10  }
0x38: {  	s10 =	sld [smem:$0x3FBA]  }
0x39: {  	_ = 	snop;
	(pc) =	sbr.ind lr, $3  }
0x3a: {  	_ = 	snop  }
0x3b: {  	_ = 	snop  }
0x3c: {  	p2 =	seq.s32 s10, $0x1;
	s10 =	sld [smem:$0x3FB9]  }
0x3d: {  	_ =	shalt  }
0x3e: {  	_ =	shalt  }
0x3f: {  	_ =	shalt  }
0x40: {  	_ =	shalt  }
0x41: {  	_ =	shalt  }
0x42: {  	_ =	shalt  }
0x43: {  	_ =	shalt  }
0x44: {  	_ =	shalt  }
0x45: {  	_ =	shalt  }
0x46: {  	_ =	shalt  }
0x47: {  	_ =	shalt  }
0x48: {  	_ =	shalt  }
0x49: {  	_ =	shalt  }
0x4a: {  	_ =	shalt  }
0x4b: {  	_ =	shalt  }
0x4c: {  	_ =	shalt  }
0x4d: {  	_ =	shalt  }
0x4e: {  	_ =	shalt  }
0x4f: {  	_ =	shalt  }
0x50: {  	_ =	shalt  }
0x51: {  	_ =	shalt  }
0x52: {  	_ =	shalt  }
0x53: {  	_ =	shalt  }
0x54: {  	_ =	shalt  }
0x55: {  	_ =	shalt  }
0x56: {  	_ =	shalt  }
0x57: {  	_ =	shalt  }
0x58: {  	_ =	shalt  }
0x59: {  	_ =	shalt  }
0x5a: {  	_ =	shalt  }
0x5b: {  	_ =	shalt  }
0x5c: {  	_ =	shalt  }
0x5d: {  	_ =	shalt  }
0x5e: {  	_ =	shalt  }
0x5f: {  	_ =	shalt  }
0x60: {  	_ =	shalt  }
0x61: {  	_ =	shalt  }
0x62: {  	_ =	shalt  }
0x63: {  	_ =	shalt  }
0x64: {  	_ =	shalt  }
0x65: {  	_ =	shalt  }
0x66: {  	_ =	shalt  }
0x67: {  	_ =	shalt  }
0x68: {  	_ =	shalt  }
0x69: {  	_ =	shalt  }
0x6a: {  	_ =	shalt  }
0x6b: {  	_ =	shalt  }
0x6c: {  	_ =	shalt  }
0x6d: {  	_ =	shalt  }
0x6e: {  	_ =	shalt  }
0x6f: {  	_ =	shalt  }
0x70: {  	_ =	shalt  }
0x71: {  	_ =	shalt  }
0x72: {  	_ =	shalt  }
0x73: {  	_ =	shalt  }
0x74: {  	_ =	shalt  }
0x75: {  	_ =	shalt  }
0x76: {  	_ =	shalt  }
0x77: {  	_ =	shalt  }
0x78: {  	_ =	shalt  }
0x79: {  	_ =	shalt  }
0x7a: {  	_ =	shalt  }
0x7b: {  	_ =	shalt  }
0x7c: {  	_ =	shalt  }
0x7d: {  	_ =	shalt  }
0x7e: {  	_ =	shalt  }
0x7f: {  	_ =	shalt  }
0x80: {  	_ =	shalt  }
0x81: {  	_ =	shalt  }
0x82: {  	_ =	shalt  }
0x83: {  	_ =	shalt  }
0x84: {  	_ =	shalt  }
0x85: {  	_ =	shalt  }
0x86: {  	_ =	shalt  }
0x87: {  	_ =	shalt  }
.Lfunc_end0:
.L_simem_size_0:
called_computation_lowered:
.L_overlay_start_0:
0x88: {  	s2 =	sld [smem:$0x3FD9]  }
0x89: {  	s3 =	sld [smem:$0x3FFE];
	_ =	sdelay $0x1  }
0x8a: {  	s1 =	srdreg.scid  }
0x8b: {  	s0 =	sand.u32 $0x1, s1  }
0x8c: {  	s14 =	sshll.u32 s0, $0xA;
	s2 =	sadd.s32 s3, s2  }
0x8d: {  	s2 =	sadd.s32 s2, s14  }
0x8e: {  	[smem:$0x3FC5] =	sst s2  }
0x8f: {  	_ = 	snop  }
0x90: {  	s2 =	sld [smem:$0x3FD0];
	_ =	sdelay $0x2  }
0x91: {  	s15 =	simm.s32 $0xA;
	s4 =	simm.s32 $0x10  }
0x92: {  	[smem:s4], [sflag:s15] =	dma.local [hbm:s2], $0x1  }
0x93: {  	_ =	swait.eq [sflag:s15], $0x1  }
0x94: {  	[sflag:s15] =	ssyncset.done $0x0  }
0x95: {  	[sflag:s15] =	ssyncadd.s32 $0xFFFFFFFF  }
0x96: {  	s16 =	sld [smem:$0x10];
	(tm) =	ssettm $0x1  }
0x97: {  	s17 =	sld [smem:$0x3FFB];
	_ =	sdelay $0x3  }
0x98: {  	_ =	strace s17  }
0x99: {  	s3 =	sld [smem:$0x3FFC];
	_ =	sdelay $0x3  }
0x9a: {  	_ =	strace s3  }
0x9b: {  	s3 =	sld [smem:$0x3FFD];
	_ =	sdelay $0x3  }
0x9c: {  	_ =	strace s3  }
0x9d: {  	_ =	strace $0x8FFFFFFF  }
0x9e: {  	s18 =	sld [smem:$0x3FDB];
	_ =	sdelay $0x1  }
0x9f: {  	s19 =	simm.s32 $_scs_section_size  }
0xa0: {  	s5 =	simm.s32 $_size__tile_overlayer_lowered;
	s6 =	simm.s32 $_tile_overlayer_lowered  }
0xa1: {  	s22 =	simm.s32 $0x1BFF;
	s21 =	sshll.u32 s6, $0x1;
	s3 =	sadd.s32 s19, s18  }
0xa2: {  	s7 =	simm.s32 $0x0;
	s20 =	sshll.u32 s5, $0x1;
	s5 =	sadd.s32 s21, s3  }
0xa3: {  	[timem:s7], [sflag:s22] =	dma.local [hbm:s5], s20  }
0xa4: {  	_ =	swait.ge [sflag:s22], s20  }
0xa5: {  	s4 =	ssub.s32 $0x0, s20;
	[sflag:s22] =	ssyncset.done $0x0  }
0xa6: {  	[sflag:s22] =	ssyncadd.s32 s4;
	_ =	sdelay $0x1  }
0xa7: {  	s23 =	simm.s32 $0x1B8B  }
0xa8: {  	_ =	swait.ge [sflag:s23], $0x1  }
0xa9: {  	[sflag:s23] =	ssyncset.done $0x0  }
0xaa: {  	s25 =	simm.s32 $0x1B8E;
	s24 =	sld [smem:$0x3FFE];
	[sflag:s23] =	ssyncadd.s32 $0xFFFFFFFF  }
0xab: {  	s26 =	simm.s32 $execute0_lowered;
	[smem:$0x3FD2] =	sst s25  }
0xac: {  	s5 =	sshll.u32 s26, $0x1;
	_ =	strace $0x80000046;
	[dreg:$0x1] =	wrdreg $0xFFFFFFFF  }
0xad: {  	s28 =	simm.s32 $_size_execute0_lowered;
	s3 =	sadd.s32 s3, s5;
	[dreg:$0x0] =	wrdreg $0x0  }
0xae: {  	s5 =	sshll.u32 s28, $0x1;
	[dreg:$0x2] =	wrdreg s3  }
0xaf: {  	[dreg:$0x3] =	wrdreg s5  }
0xb0: {  	[dreg:$0x4] =	wrdreg $0xC0  }
0xb1: {  	_ =	task [dreg:s7], $0x5FFFF  }
0xb2: {  	[dreg:$0x1] =	wrdreg $0xFFFFFFFF  }
0xb3: {  	[dreg:$0x0] =	wrdreg $0x60  }
0xb4: {  	[dreg:$0x2] =	wrdreg s24  }
0xb5: {  	[dreg:$0x3] =	wrdreg s16  }
0xb6: {  	[dreg:$0x4] =	wrdreg $0x9  }
0xb7: {  	_ =	task.clear_ibuf [dreg:s7], $0x5FFFF;
	_ =	strace $0x90000046  }
0xb8: {  	s29 =	simm.s32 $0x9;
	_ =	strace $0x80000048  }
0xb9: {  	_ =	swait.ge [sflag:s29], $0x1  }
0xba: {  	[sflag:s29] =	ssyncadd.s32 $0xFFFFFFFF  }
0xbb: {  	_ =	strace $0x90000048  }
0xbc: {  	_ =	sfence  }
0xbd: {  	s30 =	sld [smem:$0x0];
	_ =	sdelay $0x2  }
0xbe: {  	s31 =	sshll.u32 s1, $0xD;
	s1 =	sshrl.u32 s1, $0x2  }
0xbf: {  	s3 =	sand.u32 $0x4000, s31;
	s1 =	sadd.s32 s1, s30  }
0xc0: {  	s0 =	sor.u32 s3, s0;
	s1 =	sshll.u32 s1, $0x11  }
0xc1: {  	s0 =	sor.u32 s1, s0  }
0xc2: {  	s0 =	sadd.s32 $0x8F2B, s0  }
0xc3: {  	[sflag:s0] =	ssyncadd.remote.s32 $0x1  }
0xc4: {  	_ =	sfence.sel $0xFFFF  }
0xc5: {  	[dreg:$0x0] =	wrdreg $0xFFFFFFFF;
	(pc) =	sbr.abs _section_cstart, $3  }
0xc6: {  	[dreg:$0x1] =	wrdreg $0xFFFFFFFF  }
0xc7: {  	_ =	task.clear_ibuf [dreg:s7], $0x2FFFF;
	_ =	strace $0x9FFFFFFF  }
0xc8: {  	(tm) =	ssettm $0x7FFFFFFF  }
0xc9: {  	_ =	shalt  }
tec
execute0_lowered:
.L_overlay_start_1:
0x0: {  	(tag) =	ssettag $0x1  }
0x1: {  	s10 =	rddreg [dreg:$0x0]  }
0x2: {  	s1 =	srdreg.scid;
	s0 =	stileid.u32  }
0x3: {  	s3 =	rddreg [dreg:$0x1];
	s11 =	sand.u32 $0x1, s1;
	s4 =	sshll.u32 s0, $0x1  }
0x4: {  	s2 =	simm.s32 $0x0;
	s1 =	rddreg [dreg:$0x2];
	s12 =	sor.u32 s11, s4  }
0x5: {  	[smem:$0x7FF] =	sst s2;
	s4 =	sshll.u32 s12, $0x5  }
0x6: {  	_ =	strace $0x80000047;
	s4 =	sadd.s32 s3, s4;
	s3 =	simm.s32 $0x2  }
0x7: {  	[tilespmem:s2], [sflag:$0x2] =	stream.linear.gather [hbm4b:s4+s2], $0x100, $0x38;
	[tilespmem:$0x8100] =	vst v63  }
0x8: {  	_ =	swait.ge [sflag:s3], $0x100  }
0x9: {  	s6 =	simm.s32 $0x80;
	[sflag:s3] =	ssyncset.done $0x0  }
0xa: {  	s7 =	simm.s32 $0x100;
	s5 =	sadd.s32 $0xC00, s10;
	[sflag:s3] =	ssyncadd.s32 $0xFFFFFF00  }
0xb: {  	[tilespmem:s7], [sflag:$0x1] =	stream.indirect.gather [hbm4b:s5+s6], $0x80, s2, s6, $0xb8;
	[tilespmem:$0x8100] =	vst v63  }
0xc: {  	s8 =	simm.s32 $0x4100;
	s9 =	simm.s32 $0x1;
	s11 =	ssub.s32 $0x2, s11  }
0xd: {  	[tilespmem:s8], [sflag:$0x1] =	stream.indirect.gather [hbm4b:s5+s6], $0x80, s6, s6, $0xb8;
	[tilespmem:$0x8100] =	vst v63  }
0xe: {  	s13 =	sshrl.u32 s11, $0x1;
	_ =	swait.ge [sflag:s9], $0x4000  }
0xf: {  	s11 =	ssub.s32 s11, s13;
	[sflag:s9] =	ssyncset.done $0x0  }
0x10: {  	s11 =	smax.u32 s11, $0x1;
	[sflag:s9] =	ssyncadd.s32 $0xFFFFC000  }
0x11: {  	s12 =	sshll.u32 s12, $0xC;
	p0 =	sne.s32 s11, $0x1;
	_ =	swait.ge [sflag:s9], $0x4000  }
.Ltmp0:
0x12: {  	s10 =	sadd.s32 s12, s10;
	[sflag:s9] =	ssyncset.done $0x0;
	(pc) =	sbr.rel @!p0 .LBB2_2-.Ltmp0, $4  }
0x13: {  	s10 =	sadd.s32 $0x20C00, s10;
	[sflag:s9] =	ssyncadd.s32 $0xFFFFC000  }
0x14: {  	[hbm4b:s10+s2] =	stream.linear.scatter [tilespmem:s7], [sflag:$0x2], $0x8000, $0x38;
	[tilespmem:$0x8100] =	vst v63  }
0x15: {  	_ =	swait.ge [sflag:s3], $0x8000  }
0x16: {  	s11 =	sadd.s32 $0xFFFFFFFF, s11;
	[sflag:s3] =	ssyncset.done $0x0  }
.LBB2_1:
0x17: {  	p0 =	sne.s32 s11, $0x1;
	s11 =	sadd.s32 $0xFFFFFFFF, s11;
	[sflag:s3] =	ssyncadd.s32 $0xFFFF8000  }
0x18: {  	[tilespmem:s2], [sflag:$0x2] =	stream.linear.gather [hbm4b:s4+s2], $0x100, $0x38;
	[tilespmem:$0x8100] =	vst v63  }
0x19: {  	_ =	swait.ge [sflag:s3], $0x100  }
0x1a: {  	[sflag:s3] =	ssyncset.done $0x0  }
0x1b: {  	[sflag:s3] =	ssyncadd.s32 $0xFFFFFF00  }
0x1c: {  	[tilespmem:s7], [sflag:$0x1] =	stream.indirect.gather [hbm4b:s5+s6], $0x80, s2, s6, $0xb8;
	[tilespmem:$0x8100] =	vst v63  }
0x1d: {  	_ = 	snop  }
0x1e: {  	[tilespmem:s8], [sflag:$0x1] =	stream.indirect.gather [hbm4b:s5+s6], $0x80, s6, s6, $0xb8;
	[tilespmem:$0x8100] =	vst v63  }
0x1f: {  	_ =	swait.ge [sflag:s9], $0x4000  }
0x20: {  	[sflag:s9] =	ssyncset.done $0x0  }
0x21: {  	[sflag:s9] =	ssyncadd.s32 $0xFFFFC000  }
0x22: {  	_ =	swait.ge [sflag:s9], $0x4000  }
.Ltmp1:
0x23: {  	[sflag:s9] =	ssyncset.done $0x0;
	(pc) =	sbr.rel @p0 .LBB2_1-.Ltmp1, $4  }
0x24: {  	[sflag:s9] =	ssyncadd.s32 $0xFFFFC000  }
0x25: {  	[hbm4b:s10+s2] =	stream.linear.scatter [tilespmem:s7], [sflag:$0x2], $0x8000, $0x38;
	[tilespmem:$0x8100] =	vst v63  }
0x26: {  	_ =	swait.ge [sflag:s3], $0x8000  }
0x27: {  	[sflag:s3] =	ssyncset.done $0x0  }
.LBB2_2:
0x28: {  	[sflag:s3] =	ssyncadd.s32 $0xFFFF8000  }
0x29: {  	_ =	sfence.sel $0x180000  }
0x2a: {  	[bflag:$0x0] =	sbarrier.arrive $0xFFFF  }
0x2b: {  	p0 =	sne.s32 s0, $0x0;
	_ =	strace $0x90000047  }
0x2c: {  	s0 =	sadd.s32 @!p0 $0x100000, s1;
	[bflag:$0x2] =	sbarrier.arrive $0xFFFF  }
0x2d: {  	[sflag:s0] =	ssyncadd.tile.s32 @!p0 $0x1;
	_ =	shalt  }
.Lfunc_end2:
_tile_overlayer_lowered:
.L_overlay_start_2:
0x2e: {  	(tag) =	ssettag $0x2  }
0x2f: {  	s0 =	rddreg [dreg:$0x0];
	s2 =	stileid.u32  }
0x30: {  	s1 =	rddreg [dreg:$0x1];
	p0 =	sne.s32 s2, $0x0  }
0x31: {  	s3 =	rddreg [dreg:$0x2];
	[bflag:$0x3] =	sbarrier.arrive $0xFFFF;
	s2 =	simm.s32 @!p0 $0x1C02  }
0x32: {  	[timem:s3], [sflag:s2] =	dma.local @!p0 [hbm:s0], s1  }
0x33: {  	s0 =	simm.s32 @!p0 $0x2  }
0x34: {  	_ =	swait.ge @!p0 [sflag:s0], s1  }
0x35: {  	s1 =	ssub.s32 @!p0 $0x0, s1;
	[sflag:s0] =	ssyncset.done @!p0 $0x0  }
0x36: {  	[sflag:s0] =	ssyncadd.s32 @!p0 s1  }
0x37: {  	[bflag:$0x3] =	sbarrier.arrive $0xFFFF  }
0x38: {  	_ =	shalt  }

</sc_bundles>
